<compile_context>
chip_gen: v7x
topology: tpu7x:2x2x1
jax: 0.10.2.dev20260603
libtpu: 0.0.44.dev20260713+nightly
codegen_flags: <defaults>
</compile_context>

<pallas_src>
import jax
import jax.numpy as jnp
from jax import lax
from jax.experimental import pallas as pl
from jax.experimental.pallas import tpu as pltpu
from jax.experimental.pallas import tpu_sc as plsc

_N = 16384
_TABLE = 10
_NS = 16
_L = 16
_NC = 2
_CHUNK = _N // (_NS * _NC)


def _lookup_body(y_hbm, table_hbm, out_hbm, buf_v, table_v,
                 sem_t, sem_y0, sem_y1, sem_o0):
    wid = lax.axis_index("s") * _NC + lax.axis_index("c")
    base = wid * _CHUNK
    half = _CHUNK // 2
    cp_t = pltpu.make_async_copy(table_hbm, table_v, sem_t)
    cp_y0 = pltpu.make_async_copy(
        y_hbm.at[pl.ds(base, half)], buf_v.at[pl.ds(0, half)], sem_y0)
    cp_y1 = pltpu.make_async_copy(
        y_hbm.at[pl.ds(base + half, half)], buf_v.at[pl.ds(half, half)], sem_y1)
    cp_y0.start()
    cp_y1.start()
    cp_t.start()

    def gather_half(off):
        def step(i):
            idx = buf_v[pl.ds(off + i, _L)]
            buf_v[pl.ds(off + i, _L)] = plsc.load_gather(table_v, [idx])
        plsc.parallel_loop(0, half, _L, unroll=4)(step)

    cp_y0.wait()
    cp_t.wait()
    gather_half(0)
    cp_o0 = pltpu.make_async_copy(
        buf_v.at[pl.ds(0, half)], out_hbm.at[pl.ds(base, half)], sem_o0)
    cp_o0.start()
    cp_y1.wait()
    gather_half(half)
    pltpu.sync_copy(
        buf_v.at[pl.ds(half, half)], out_hbm.at[pl.ds(base + half, half)])
    cp_o0.wait()


def kernel(y, table):
    run = pl.kernel(
        _lookup_body,
        out_type=jax.ShapeDtypeStruct((_N,), jnp.int32),
        mesh=plsc.VectorSubcoreMesh(
            core_axis_name="c", subcore_axis_name="s", num_cores=_NC,
            num_subcores=_NS,
        ),
        compiler_params=pltpu.CompilerParams(needs_layout_passes=False),
        scratch_types=[
            pltpu.VMEM((_CHUNK,), jnp.int32),
            pltpu.VMEM((_TABLE,), jnp.int32),
            pltpu.SemaphoreType.DMA,
            pltpu.SemaphoreType.DMA,
            pltpu.SemaphoreType.DMA,
            pltpu.SemaphoreType.DMA,
        ],
    )
    return run(y.astype(jnp.int32), table.astype(jnp.int32))

# --- scband reference (transcript-rebuilt; emitter-appended) ---
"""Pipeline reference for scband-cifarclassification-task-60687887893038 (READ-ONLY COPY).

The authoritative reference and input builder live on the scoring server;
editing this copy changes nothing except your own understanding.
"""

import jax, jax.numpy as jnp
import numpy as np
from itertools import combinations

CIFAR_REAL_BIN_TASKS = [cls1 for cls1 in list(combinations(range(10), 5))[:126]]

def _build_table(task_idx=0):
    label2val = [int(i in CIFAR_REAL_BIN_TASKS[task_idx]) for i in range(10)]
    return jnp.asarray(np.array(label2val, dtype=np.int64))

def setup_inputs(seed: int = 0) -> dict:
    key = jax.random.key(seed)
    y = jax.random.randint(key, (16384,), 0, 10, dtype=jnp.int64)
    table = _build_table(0)
    return {"y": y, "table": table}

def reference(y, table):
    # CIFARClassificationTask.forward: t = self.lookup_table[y]
    t = jnp.take(table, y, axis=0)
    return t

if __name__ == "__main__":
    import jax
    _d = setup_inputs()
    print(jax.jit(kernel)(*tuple(_d.values())))

</pallas_src>

<mosaic_0001>
#map = affine_map<(d0, d1) -> (0)>
module attributes {stable_mosaic.version = 14 : i64} {
  func.func @_lookup_body(%arg0: i32, %arg1: i32, %arg2: memref<16384xi32, #tpu.memory_space<hbm>>, %arg3: memref<10xi32, #tpu.memory_space<hbm>>, %arg4: memref<16384xi32, #tpu.memory_space<hbm>>, %arg5: memref<512xi32, #tpu.memory_space<vmem>>, %arg6: memref<10xi32, #tpu.memory_space<vmem>>, %arg7: memref<!tpu.dma_semaphore, #tpu.memory_space<semaphore_mem>>, %arg8: memref<!tpu.dma_semaphore, #tpu.memory_space<semaphore_mem>>, %arg9: memref<!tpu.dma_semaphore, #tpu.memory_space<semaphore_mem>>, %arg10: memref<!tpu.dma_semaphore, #tpu.memory_space<semaphore_mem>>) attributes {dimension_semantics = [#tpu.dimension_semantics<core_parallel>, #tpu.dimension_semantics<subcore_parallel>], iteration_bounds = array<i64: 2, 16>, scalar_prefetch = 0 : i64, scratch_operands = 6 : i64, tpu.core_type = #tpu.core_type<sc_vector_subcore>, window_params = [{transform_indices = #map}, {transform_indices = #map}, {transform_indices = #map}]} {
    %mul3A = arith.constant 2 : i32
    %mul3A_0 = arith.muli %arg1, %mul3A : i32
    %add3A = arith.addi %mul3A_0, %arg0 : i32
    %mul3A_1 = arith.constant 512 : i32
    %mul3A_2 = arith.muli %add3A, %mul3A_1 : i32
    %add3A_3 = arith.constant 256 : i32
    %add3A_4 = arith.addi %mul3A_2, %add3A_3 : i32
    %dma_start3A = arith.constant 0 : i32
    %dma_start3A_5 = tpu.memref_slice %arg5[%dma_start3A] : memref<512xi32, #tpu.memory_space<vmem>> -> memref<256xi32, #tpu.memory_space<vmem>>
    %dma_start3A_6 = tpu.memref_slice %arg2[%mul3A_2] : memref<16384xi32, #tpu.memory_space<hbm>> -> memref<256xi32, #tpu.memory_space<hbm>>
    %dma_start3A_7 = arith.constant 0 : i32
    %dma_start3A_8 = tpu.memref_slice %arg5[%dma_start3A_7] : memref<512xi32, #tpu.memory_space<vmem>> -> memref<256xi32, #tpu.memory_space<vmem>>
    %dma_start3A_9 = tpu.memref_slice %arg2[%mul3A_2] : memref<16384xi32, #tpu.memory_space<hbm>> -> memref<256xi32, #tpu.memory_space<hbm>>
    tpu.enqueue_dma source(%dma_start3A_9 : memref<256xi32, #tpu.memory_space<hbm>>) target(%dma_start3A_8 : memref<256xi32, #tpu.memory_space<vmem>>) target_semaphore(%arg8 : memref<!tpu.dma_semaphore, #tpu.memory_space<semaphore_mem>>)
    %dma_start3A_10 = arith.constant 256 : i32
    %dma_start3A_11 = tpu.memref_slice %arg5[%dma_start3A_10] : memref<512xi32, #tpu.memory_space<vmem>> -> memref<256xi32, #tpu.memory_space<vmem>>
    %dma_start3A_12 = tpu.memref_slice %arg2[%add3A_4] : memref<16384xi32, #tpu.memory_space<hbm>> -> memref<256xi32, #tpu.memory_space<hbm>>
    %dma_start3A_13 = arith.constant 256 : i32
    %dma_start3A_14 = tpu.memref_slice %arg5[%dma_start3A_13] : memref<512xi32, #tpu.memory_space<vmem>> -> memref<256xi32, #tpu.memory_space<vmem>>
    %dma_start3A_15 = tpu.memref_slice %arg2[%add3A_4] : memref<16384xi32, #tpu.memory_space<hbm>> -> memref<256xi32, #tpu.memory_space<hbm>>
    tpu.enqueue_dma source(%dma_start3A_15 : memref<256xi32, #tpu.memory_space<hbm>>) target(%dma_start3A_14 : memref<256xi32, #tpu.memory_space<vmem>>) target_semaphore(%arg9 : memref<!tpu.dma_semaphore, #tpu.memory_space<semaphore_mem>>)
    tpu.enqueue_dma source(%arg3 : memref<10xi32, #tpu.memory_space<hbm>>) target(%arg6 : memref<10xi32, #tpu.memory_space<vmem>>) target_semaphore(%arg7 : memref<!tpu.dma_semaphore, #tpu.memory_space<semaphore_mem>>)
    %dma_wait3A = arith.constant 0 : i32
    %dma_wait3A_16 = tpu.memref_slice %arg5[%dma_wait3A] : memref<512xi32, #tpu.memory_space<vmem>> -> memref<256xi32, #tpu.memory_space<vmem>>
    %dma_wait3A_17 = tpu.memref_slice %arg2[%mul3A_2] : memref<16384xi32, #tpu.memory_space<hbm>> -> memref<256xi32, #tpu.memory_space<hbm>>
    %dma_wait3A_18 = arith.constant 0 : i32
    %dma_wait3A_19 = tpu.memref_slice %arg5[%dma_wait3A_18] : memref<512xi32, #tpu.memory_space<vmem>> -> memref<256xi32, #tpu.memory_space<vmem>>
    %dma_wait3A_20 = tpu.memref_slice %arg2[%mul3A_2] : memref<16384xi32, #tpu.memory_space<hbm>> -> memref<256xi32, #tpu.memory_space<hbm>>
    tpu.wait_dma2 semaphore(%arg8 : memref<!tpu.dma_semaphore, #tpu.memory_space<semaphore_mem>>) src(%dma_wait3A_20 : memref<256xi32, #tpu.memory_space<hbm>>) dst(%dma_wait3A_19 : memref<256xi32, #tpu.memory_space<vmem>>)
    tpu.wait_dma2 semaphore(%arg7 : memref<!tpu.dma_semaphore, #tpu.memory_space<semaphore_mem>>) src(%arg3 : memref<10xi32, #tpu.memory_space<hbm>>) dst(%arg6 : memref<10xi32, #tpu.memory_space<vmem>>)
    %parallel_loop3A = arith.constant 0 : i32
    %parallel_loop3A_21 = arith.constant 256 : i32
    %parallel_loop3A_22 = arith.constant 16 : i32
    scf.for %parallel_loop3A_46 = %parallel_loop3A to %parallel_loop3A_21 step %parallel_loop3A_22  : i32 {
      %parallel_loop3A_47 = arith.constant 0 : i32
      %parallel_loop3A_48 = arith.addi %parallel_loop3A_47, %parallel_loop3A_46 : i32
      %parallel_loop3A_49 = arith.index_cast %parallel_loop3A_48 : i32 to index
      %parallel_loop3A_50 = tpu.vector_load %arg5[%parallel_loop3A_49] {strides = array<i32>} : memref<512xi32, #tpu.memory_space<vmem>>, vector<16xi32>,
      %parallel_loop3A_51 = tpu.vector_load_idx %arg6[%parallel_loop3A_50] : memref<10xi32, #tpu.memory_space<vmem>>[vector<16xi32>], vector<16xi32>,
      %parallel_loop3A_52 = arith.constant 0 : i32
      %parallel_loop3A_53 = arith.addi %parallel_loop3A_52, %parallel_loop3A_46 : i32
      %parallel_loop3A_54 = arith.index_cast %parallel_loop3A_53 : i32 to index
      %parallel_loop3A_55 = tpu.vector_load %arg5[%parallel_loop3A_54] {strides = array<i32>} : memref<512xi32, #tpu.memory_space<vmem>>, vector<16xi32>,
      tpu.vector_store %arg5[%parallel_loop3A_54], %parallel_loop3A_51 {strides = array<i32>} : memref<512xi32, #tpu.memory_space<vmem>>, vector<16xi32>,
    } {sc.loop_unroll_factor = 4 : i64, sc.parallel_access}
    %dma_start3A_23 = arith.constant 0 : i32
    %dma_start3A_24 = tpu.memref_slice %arg5[%dma_start3A_23] : memref<512xi32, #tpu.memory_space<vmem>> -> memref<256xi32, #tpu.memory_space<vmem>>
    %dma_start3A_25 = tpu.memref_slice %arg4[%mul3A_2] : memref<16384xi32, #tpu.memory_space<hbm>> -> memref<256xi32, #tpu.memory_space<hbm>>
    %dma_start3A_26 = tpu.memref_slice %arg4[%mul3A_2] : memref<16384xi32, #tpu.memory_space<hbm>> -> memref<256xi32, #tpu.memory_space<hbm>>
    %dma_start3A_27 = arith.constant 0 : i32
    %dma_start3A_28 = tpu.memref_slice %arg5[%dma_start3A_27] : memref<512xi32, #tpu.memory_space<vmem>> -> memref<256xi32, #tpu.memory_space<vmem>>
    tpu.enqueue_dma source(%dma_start3A_28 : memref<256xi32, #tpu.memory_space<vmem>>) target(%dma_start3A_26 : memref<256xi32, #tpu.memory_space<hbm>>) target_semaphore(%arg10 : memref<!tpu.dma_semaphore, #tpu.memory_space<semaphore_mem>>)
    %dma_wait3A_29 = arith.constant 256 : i32
    %dma_wait3A_30 = tpu.memref_slice %arg5[%dma_wait3A_29] : memref<512xi32, #tpu.memory_space<vmem>> -> memref<256xi32, #tpu.memory_space<vmem>>
    %dma_wait3A_31 = tpu.memref_slice %arg2[%add3A_4] : memref<16384xi32, #tpu.memory_space<hbm>> -> memref<256xi32, #tpu.memory_space<hbm>>
    %dma_wait3A_32 = arith.constant 256 : i32
    %dma_wait3A_33 = tpu.memref_slice %arg5[%dma_wait3A_32] : memref<512xi32, #tpu.memory_space<vmem>> -> memref<256xi32, #tpu.memory_space<vmem>>
    %dma_wait3A_34 = tpu.memref_slice %arg2[%add3A_4] : memref<16384xi32, #tpu.memory_space<hbm>> -> memref<256xi32, #tpu.memory_space<hbm>>
    tpu.wait_dma2 semaphore(%arg9 : memref<!tpu.dma_semaphore, #tpu.memory_space<semaphore_mem>>) src(%dma_wait3A_34 : memref<256xi32, #tpu.memory_space<hbm>>) dst(%dma_wait3A_33 : memref<256xi32, #tpu.memory_space<vmem>>)
    %parallel_loop3A_35 = arith.constant 0 : i32
    %parallel_loop3A_36 = arith.constant 256 : i32
    %parallel_loop3A_37 = arith.constant 16 : i32
    scf.for %parallel_loop3A_46 = %parallel_loop3A_35 to %parallel_loop3A_36 step %parallel_loop3A_37  : i32 {
      %parallel_loop3A_47 = arith.constant 256 : i32
      %parallel_loop3A_48 = arith.addi %parallel_loop3A_47, %parallel_loop3A_46 : i32
      %parallel_loop3A_49 = arith.index_cast %parallel_loop3A_48 : i32 to index
      %parallel_loop3A_50 = tpu.vector_load %arg5[%parallel_loop3A_49] {strides = array<i32>} : memref<512xi32, #tpu.memory_space<vmem>>, vector<16xi32>,
      %parallel_loop3A_51 = tpu.vector_load_idx %arg6[%parallel_loop3A_50] : memref<10xi32, #tpu.memory_space<vmem>>[vector<16xi32>], vector<16xi32>,
      %parallel_loop3A_52 = arith.constant 256 : i32
      %parallel_loop3A_53 = arith.addi %parallel_loop3A_52, %parallel_loop3A_46 : i32
      %parallel_loop3A_54 = arith.index_cast %parallel_loop3A_53 : i32 to index
      %parallel_loop3A_55 = tpu.vector_load %arg5[%parallel_loop3A_54] {strides = array<i32>} : memref<512xi32, #tpu.memory_space<vmem>>, vector<16xi32>,
      tpu.vector_store %arg5[%parallel_loop3A_54], %parallel_loop3A_51 {strides = array<i32>} : memref<512xi32, #tpu.memory_space<vmem>>, vector<16xi32>,
    } {sc.loop_unroll_factor = 4 : i64, sc.parallel_access}
    %add3A_38 = arith.constant 256 : i32
    %add3A_39 = arith.addi %mul3A_2, %add3A_38 : i32
    "tpu.region"() ({
      %run_scoped3A = tpu.sem_alloc : memref<!tpu.dma_semaphore, #tpu.memory_space<semaphore_mem>>
      %dma_start3A_46 = arith.constant 256 : i32
      %dma_start3A_47 = tpu.memref_slice %arg5[%dma_start3A_46] : memref<512xi32, #tpu.memory_space<vmem>> -> memref<256xi32, #tpu.memory_space<vmem>>
      %dma_start3A_48 = tpu.memref_slice %arg4[%add3A_39] : memref<16384xi32, #tpu.memory_space<hbm>> -> memref<256xi32, #tpu.memory_space<hbm>>
      %dma_start3A_49 = tpu.memref_slice %arg4[%add3A_39] : memref<16384xi32, #tpu.memory_space<hbm>> -> memref<256xi32, #tpu.memory_space<hbm>>
      %dma_start3A_50 = arith.constant 256 : i32
      %dma_start3A_51 = tpu.memref_slice %arg5[%dma_start3A_50] : memref<512xi32, #tpu.memory_space<vmem>> -> memref<256xi32, #tpu.memory_space<vmem>>
      tpu.enqueue_dma source(%dma_start3A_51 : memref<256xi32, #tpu.memory_space<vmem>>) target(%dma_start3A_49 : memref<256xi32, #tpu.memory_space<hbm>>) target_semaphore(%run_scoped3A : memref<!tpu.dma_semaphore, #tpu.memory_space<semaphore_mem>>)
      %dma_wait3A_52 = arith.constant 256 : i32
      %dma_wait3A_53 = tpu.memref_slice %arg5[%dma_wait3A_52] : memref<512xi32, #tpu.memory_space<vmem>> -> memref<256xi32, #tpu.memory_space<vmem>>
      %dma_wait3A_54 = tpu.memref_slice %arg4[%add3A_39] : memref<16384xi32, #tpu.memory_space<hbm>> -> memref<256xi32, #tpu.memory_space<hbm>>
      %dma_wait3A_55 = tpu.memref_slice %arg4[%add3A_39] : memref<16384xi32, #tpu.memory_space<hbm>> -> memref<256xi32, #tpu.memory_space<hbm>>
      %dma_wait3A_56 = arith.constant 256 : i32
      %dma_wait3A_57 = tpu.memref_slice %arg5[%dma_wait3A_56] : memref<512xi32, #tpu.memory_space<vmem>> -> memref<256xi32, #tpu.memory_space<vmem>>
      tpu.wait_dma2 semaphore(%run_scoped3A : memref<!tpu.dma_semaphore, #tpu.memory_space<semaphore_mem>>) src(%dma_wait3A_57 : memref<256xi32, #tpu.memory_space<vmem>>) dst(%dma_wait3A_55 : memref<256xi32, #tpu.memory_space<hbm>>)
      tpu.yield
    }) : () -> ()
    %dma_wait3A_40 = arith.constant 0 : i32
    %dma_wait3A_41 = tpu.memref_slice %arg5[%dma_wait3A_40] : memref<512xi32, #tpu.memory_space<vmem>> -> memref<256xi32, #tpu.memory_space<vmem>>
    %dma_wait3A_42 = tpu.memref_slice %arg4[%mul3A_2] : memref<16384xi32, #tpu.memory_space<hbm>> -> memref<256xi32, #tpu.memory_space<hbm>>
    %dma_wait3A_43 = tpu.memref_slice %arg4[%mul3A_2] : memref<16384xi32, #tpu.memory_space<hbm>> -> memref<256xi32, #tpu.memory_space<hbm>>
    %dma_wait3A_44 = arith.constant 0 : i32
    %dma_wait3A_45 = tpu.memref_slice %arg5[%dma_wait3A_44] : memref<512xi32, #tpu.memory_space<vmem>> -> memref<256xi32, #tpu.memory_space<vmem>>
    tpu.wait_dma2 semaphore(%arg10 : memref<!tpu.dma_semaphore, #tpu.memory_space<semaphore_mem>>) src(%dma_wait3A_45 : memref<256xi32, #tpu.memory_space<vmem>>) dst(%dma_wait3A_43 : memref<256xi32, #tpu.memory_space<hbm>>)
    return
  }
}

</mosaic_0001>

<sc_bundles>
// kernel: kernel.3.cloned.1.call-start
scs
__scs_entry_jumppad:
0x0: {  	(pc) =	sbr.rel $0x88, $3  }
0x1: {  	(tag) =	ssettag $0x0;
	lr =	simm.s32 $0x1  }
0x2: {  	[smem:$0x3F9F] =	sst lr;
	_ =	strace $0xD0000000  }
0x3: {  	_ = 	snop  }
0x4: {  	_ = 	snop  }
0x5: {  	_ = 	snop  }
0x6: {  	_ = 	snop  }
0x7: {  	_ = 	snop  }
__scs_overlays_trampoline_lowered:
0x8: {  	[smem:$0x3FAE] =	sst s0  }
0x9: {  	[smem:$0x3FAF] =	sst s1  }
0xa: {  	[smem:$0x3FB0] =	sst s2  }
0xb: {  	[smem:$0x3FB1] =	sst s3  }
0xc: {  	[smem:$0x3FB2] =	sst s4  }
0xd: {  	[smem:$0x3FB3] =	sst s5  }
0xe: {  	[smem:$0x3FB4] =	sst s6  }
0xf: {  	[smem:$0x3FB5] =	sst s7  }
0x10: {  	[smem:$0x3FB6] =	sst s8  }
0x11: {  	[smem:$0x3FB7] =	sst s9;
	s0 =	simm.s32 @!p0 $0x0  }
0x12: {  	s1 =	sld [smem:$0x3F9D];
	s0 =	simm.s32 @p0 $0x1  }
0x13: {  	[smem:$0x3FB8] =	sst s0;
	s0 =	simm.s32 @!p1 $0x0  }
0x14: {  	s2 =	sld [smem:$0x3F9C];
	s0 =	simm.s32 @p1 $0x1  }
0x15: {  	[smem:$0x3FB9] =	sst s0;
	s0 =	simm.s32 @!p2 $0x0  }
0x16: {  	s3 =	sld [smem:$0x3FDB];
	s0 =	simm.s32 @p2 $0x1  }
0x17: {  	s4 =	simm.s32 $0x1BF5;
	[smem:$0x3FBB] =	sst s0  }
0x18: {  	s0 =	sld [smem:$0x3F9E];
	_ =	swait.ge [sflag:s4], $0x0  }
0x19: {  	s7 =	sld [smem:$0x3F9F]  }
0x1a: {  	s8 =	sadd.s32 $0xFFFFE003, lr  }
0x1b: {  	s9 =	sadd.s32 $0xFFFFFEF7, lr;
	s5 =	simm.s32 $0xFFFFFFFF;
	p2 =	slt.u32 s8, $0xFFFFF086  }
0x1c: {  	p1 =	slt.u32 s9, $0xF7A;
	s5 =	simm.s32 @!p2 $0x0  }
0x1d: {  	s5 =	simm.s32 @p1 $0x1;
	p0 =	seq.s32 s7, s2  }
0x1e: {  	s7 =	smul.u32 @!p0 $0xF7A, s2;
	p2 =	seq.s32 @!p0 s5, $0x0  }
0x1f: {  	s9 =	smul.u32 $0xF7A, s1;
	s8 =	simm.s32 @!p0 $0x1BF5;
	p2 =	por !p2, p0  }
0x20: {  	[sflag:s8] =	ssyncset.s32 @!p0 $0xFFFFF086;
	s6 =	sadd.s32 @!p0 s3, s7;
	s7 =	simm.s32 @!p0 $0x108  }
0x21: {  	s3 =	sadd.s32 s3, s9;
	s6 =	sadd.s32 @!p0 $0x88, s6;
	s7 =	simm.s32 @p2 $0x1082  }
0x22: {  	[simem:s7], [sflag:s8] =	dma.local @!p0 [hbm:s6], $0xF7A  }
0x23: {  	s9 =	sor.u32 $0xD0000000, s2;
	s6 =	simm.s32 $0x108;
	_ =	swait.ge @!p0 [sflag:s8], $0x0  }
0x24: {  	s3 =	sadd.s32 $0x88, s3;
	s6 =	simm.s32 @!p1 $0x1082;
	[sflag:s4] =	ssyncset.s32 $0xFFFFF086  }
0x25: {  	[simem:s6], [sflag:s4] =	dma.local [hbm:s3], $0xF7A  }
0x26: {  	[smem:$0x3F9F] =	sst s1;
	(tag) =	ssettag s2;
	_ =	strace s9  }
0x27: {  	s1 =	sld [smem:$0x3FAF]  }
0x28: {  	s2 =	sld [smem:$0x3FB0]  }
0x29: {  	s4 =	sld [smem:$0x3FB2]  }
0x2a: {  	p0 =	seq.s32 s5, $0x0;
	s5 =	sld [smem:$0x3FB3]  }
0x2b: {  	s6 =	sld [smem:$0x3FB4]  }
0x2c: {  	s7 =	sld [smem:$0x3FB5]  }
0x2d: {  	s3 =	simm.s32 $0x108;
	s8 =	sld [smem:$0x3FB6]  }
0x2e: {  	s3 =	simm.s32 @!p0 $0x1082;
	s9 =	sld [smem:$0x3FB7]  }
0x2f: {  	lr =	sadd.s32 s0, s3;
	s0 =	sld [smem:$0x3FAE]  }
0x30: {  	s3 =	sld [smem:$0x3FB1]  }
0x31: {  	[smem:$0x3FBA] =	sst s10  }
0x32: {  	s10 =	sld [smem:$0x3FB8];
	_ =	sdelay $0x3  }
0x33: {  	p0 =	seq.s32 s10, $0x1;
	s10 =	sld [smem:$0x3FBA];
	_ =	sdelay $0x3  }
0x34: {  	[smem:$0x3FBA] =	sst s10  }
0x35: {  	s10 =	sld [smem:$0x3FB9];
	_ =	sdelay $0x3  }
0x36: {  	p1 =	seq.s32 s10, $0x1;
	s10 =	sld [smem:$0x3FBA];
	_ =	sdelay $0x3  }
0x37: {  	[smem:$0x3FBA] =	sst s10  }
0x38: {  	s10 =	sld [smem:$0x3FBB]  }
0x39: {  	_ = 	snop;
	(pc) =	sbr.ind lr, $3  }
0x3a: {  	_ = 	snop  }
0x3b: {  	_ = 	snop  }
0x3c: {  	p2 =	seq.s32 s10, $0x1;
	s10 =	sld [smem:$0x3FBA]  }
0x3d: {  	_ =	shalt  }
0x3e: {  	_ =	shalt  }
0x3f: {  	_ =	shalt  }
0x40: {  	_ =	shalt  }
0x41: {  	_ =	shalt  }
0x42: {  	_ =	shalt  }
0x43: {  	_ =	shalt  }
0x44: {  	_ =	shalt  }
0x45: {  	_ =	shalt  }
0x46: {  	_ =	shalt  }
0x47: {  	_ =	shalt  }
0x48: {  	_ =	shalt  }
0x49: {  	_ =	shalt  }
0x4a: {  	_ =	shalt  }
0x4b: {  	_ =	shalt  }
0x4c: {  	_ =	shalt  }
0x4d: {  	_ =	shalt  }
0x4e: {  	_ =	shalt  }
0x4f: {  	_ =	shalt  }
0x50: {  	_ =	shalt  }
0x51: {  	_ =	shalt  }
0x52: {  	_ =	shalt  }
0x53: {  	_ =	shalt  }
0x54: {  	_ =	shalt  }
0x55: {  	_ =	shalt  }
0x56: {  	_ =	shalt  }
0x57: {  	_ =	shalt  }
0x58: {  	_ =	shalt  }
0x59: {  	_ =	shalt  }
0x5a: {  	_ =	shalt  }
0x5b: {  	_ =	shalt  }
0x5c: {  	_ =	shalt  }
0x5d: {  	_ =	shalt  }
0x5e: {  	_ =	shalt  }
0x5f: {  	_ =	shalt  }
0x60: {  	_ =	shalt  }
0x61: {  	_ =	shalt  }
0x62: {  	_ =	shalt  }
0x63: {  	_ =	shalt  }
0x64: {  	_ =	shalt  }
0x65: {  	_ =	shalt  }
0x66: {  	_ =	shalt  }
0x67: {  	_ =	shalt  }
0x68: {  	_ =	shalt  }
0x69: {  	_ =	shalt  }
0x6a: {  	_ =	shalt  }
0x6b: {  	_ =	shalt  }
0x6c: {  	_ =	shalt  }
0x6d: {  	_ =	shalt  }
0x6e: {  	_ =	shalt  }
0x6f: {  	_ =	shalt  }
0x70: {  	_ =	shalt  }
0x71: {  	_ =	shalt  }
0x72: {  	_ =	shalt  }
0x73: {  	_ =	shalt  }
0x74: {  	_ =	shalt  }
0x75: {  	_ =	shalt  }
0x76: {  	_ =	shalt  }
0x77: {  	_ =	shalt  }
0x78: {  	_ =	shalt  }
0x79: {  	_ =	shalt  }
0x7a: {  	_ =	shalt  }
0x7b: {  	_ =	shalt  }
0x7c: {  	_ =	shalt  }
0x7d: {  	_ =	shalt  }
0x7e: {  	_ =	shalt  }
0x7f: {  	_ =	shalt  }
0x80: {  	_ =	shalt  }
0x81: {  	_ =	shalt  }
0x82: {  	_ =	shalt  }
0x83: {  	_ =	shalt  }
0x84: {  	_ =	shalt  }
0x85: {  	_ =	shalt  }
0x86: {  	_ =	shalt  }
0x87: {  	_ =	shalt  }
.Lfunc_end0:
.L_simem_size_0:
called_computation_lowered:
.L_overlay_start_0:
0x88: {  	s2 =	sld [smem:$0x3FD9]  }
0x89: {  	s3 =	sld [smem:$0x3FFE];
	_ =	sdelay $0x1  }
0x8a: {  	s1 =	srdreg.scid  }
0x8b: {  	s0 =	sand.u32 $0x1, s1  }
0x8c: {  	s18 =	sshll.u32 s0, $0xA;
	s2 =	sadd.s32 s3, s2  }
0x8d: {  	s2 =	sadd.s32 s2, s18  }
0x8e: {  	[smem:$0x3FC6] =	sst s2  }
0x8f: {  	_ = 	snop  }
0x90: {  	s2 =	sld [smem:$0x3FC9]  }
0x91: {  	s19 =	sld [smem:$0x3FC8]  }
0x92: {  	s4 =	sld [smem:$0x3FD0];
	(tm) =	ssettm $0x1  }
0x93: {  	s5 =	sld [smem:$0x3FFB];
	_ =	sdelay $0x3  }
0x94: {  	_ =	strace s5  }
0x95: {  	s5 =	sld [smem:$0x3FFC];
	_ =	sdelay $0x3  }
0x96: {  	_ =	strace s5  }
0x97: {  	s5 =	sld [smem:$0x3FFD];
	_ =	sdelay $0x3  }
0x98: {  	_ =	strace s5  }
0x99: {  	_ =	strace $0x8FFFFFFF  }
0x9a: {  	s20 =	sld [smem:$0x3FDB];
	_ =	sdelay $0x1  }
0x9b: {  	s6 =	simm.s32 $_scs_section_size  }
0x9c: {  	s7 =	simm.s32 $_size__tile_overlayer_lowered;
	s8 =	simm.s32 $_tile_overlayer_lowered  }
0x9d: {  	s23 =	simm.s32 $0x1BFF;
	s22 =	sshll.u32 s8, $0x1;
	s5 =	sadd.s32 s6, s20  }
0x9e: {  	s9 =	simm.s32 $0x0;
	s21 =	sshll.u32 s7, $0x1;
	s7 =	sadd.s32 s22, s5  }
0x9f: {  	[timem:s9], [sflag:s23] =	dma.local [hbm:s7], s21  }
0xa0: {  	_ =	swait.ge [sflag:s23], s21  }
0xa1: {  	s6 =	ssub.s32 $0x0, s21;
	[sflag:s23] =	ssyncset.done $0x0  }
0xa2: {  	[sflag:s23] =	ssyncadd.s32 s6;
	_ =	sdelay $0x1  }
0xa3: {  	s24 =	simm.s32 $0x1B8B  }
0xa4: {  	_ =	swait.ge [sflag:s24], $0x1  }
0xa5: {  	[sflag:s24] =	ssyncset.done $0x0  }
0xa6: {  	s25 =	simm.s32 $0x1B8E;
	[sflag:s24] =	ssyncadd.s32 $0xFFFFFFFF  }
0xa7: {  	s26 =	simm.s32 $execute0_lowered;
	[smem:$0x3FD2] =	sst s25  }
0xa8: {  	s6 =	sshll.u32 s26, $0x1;
	_ =	strace $0x80000046;
	[dreg:$0x1] =	wrdreg $0xFFFFFFFF  }
0xa9: {  	s28 =	simm.s32 $_size_execute0_lowered;
	s5 =	sadd.s32 s5, s6;
	[dreg:$0x0] =	wrdreg $0x0  }
0xaa: {  	s6 =	sshll.u32 s28, $0x1;
	[dreg:$0x2] =	wrdreg s5  }
0xab: {  	[dreg:$0x3] =	wrdreg s6  }
0xac: {  	[dreg:$0x4] =	wrdreg $0xC0  }
0xad: {  	_ =	task [dreg:s9], $0x5FFFF  }
0xae: {  	[dreg:$0x1] =	wrdreg $0xFFFFFFFF  }
0xaf: {  	[dreg:$0x0] =	wrdreg $0x60  }
0xb0: {  	[dreg:$0x2] =	wrdreg s2  }
0xb1: {  	[dreg:$0x3] =	wrdreg s19  }
0xb2: {  	[dreg:$0x4] =	wrdreg s4  }
0xb3: {  	[dreg:$0x5] =	wrdreg $0x9  }
0xb4: {  	_ =	task.clear_ibuf [dreg:s9], $0x6FFFF;
	_ =	strace $0x90000046  }
0xb5: {  	s29 =	simm.s32 $0x9;
	_ =	strace $0x80000048  }
0xb6: {  	_ =	swait.ge [sflag:s29], $0x1  }
0xb7: {  	[sflag:s29] =	ssyncadd.s32 $0xFFFFFFFF  }
0xb8: {  	_ =	strace $0x90000048  }
0xb9: {  	_ =	sfence  }
0xba: {  	s30 =	sld [smem:$0x0];
	_ =	sdelay $0x2  }
0xbb: {  	s31 =	sshll.u32 s1, $0xD;
	s1 =	sshrl.u32 s1, $0x2  }
0xbc: {  	s3 =	sand.u32 $0x4000, s31;
	s1 =	sadd.s32 s1, s30  }
0xbd: {  	s0 =	sor.u32 s3, s0;
	s1 =	sshll.u32 s1, $0x11  }
0xbe: {  	s0 =	sor.u32 s1, s0  }
0xbf: {  	s0 =	sadd.s32 $0x8F2B, s0  }
0xc0: {  	[sflag:s0] =	ssyncadd.remote.s32 $0x1  }
0xc1: {  	_ =	sfence.sel $0xFFFF  }
0xc2: {  	[dreg:$0x0] =	wrdreg $0xFFFFFFFF;
	(pc) =	sbr.abs _section_cstart, $3  }
0xc3: {  	[dreg:$0x1] =	wrdreg $0xFFFFFFFF  }
0xc4: {  	_ =	task.clear_ibuf [dreg:s9], $0x2FFFF;
	_ =	strace $0x9FFFFFFF  }
0xc5: {  	(tm) =	ssettm $0x7FFFFFFF  }
tec
execute0_lowered:
.L_overlay_start_1:
0x0: {  	(tag) =	ssettag $0x1  }
0x1: {  	s5 =	rddreg [dreg:$0x0]  }
0x2: {  	s1 =	rddreg [dreg:$0x1]  }
0x3: {  	s7 =	rddreg [dreg:$0x2]  }
0x4: {  	s0 =	rddreg [dreg:$0x3];
	s3 =	simm.s32 $0x0;
	s4 =	srdreg.scid  }
0x5: {  	s2 =	stileid.u32;
	s11 =	simm.s32 $0x2;
	s12 =	simm.s32 $0x1  }
0x6: {  	s13 =	simm.s32 $0x3;
	s14 =	simm.s32 $0x5;
	s15 =	simm.s32 $0x4  }
0x7: {  	s16 =	simm.s32 $0x0;
	[smem:$0x7FF] =	sst s3;
	s4 =	sand.u32 $0x1, s4  }
0x8: {  	s8 =	sshll.u32 s2, $0x7;
	s6 =	ssub.s32 $0x2, s4;
	s4 =	sshll.u32 s4, $0x6  }
0x9: {  	_ =	strace $0x80000047;
	s9 =	sshrl.u32 s6, $0x1;
	s8 =	sor.u32 s4, s8  }
0xa: {  	s9 =	ssub.s32 s6, s9;
	s4 =	sadd.s32 s5, s8;
	s10 =	sor.u32 $0x20, s8  }
0xb: {  	s6 =	sadd.s32 s7, s8;
	s5 =	sadd.s32 s5, s10;
	s7 =	sadd.s32 s7, s10  }
0xc: {  	s8 =	smax.u32 s9, $0x1;
	s9 =	simm.s32 $0x100;
	s10 =	simm.s32 $0x200  }
.LBB2_1:
0xd: {  	[tilespmem:s3], [sflag:$0x2] =	stream.linear.gather [hbm4b:s4+s3], $0x100, $0x38;
	[tilespmem:$0x280] =	vst v63  }
0xe: {  	_ = 	snop  }
0xf: {  	[tilespmem:s9], [sflag:$0x3] =	stream.linear.gather [hbm4b:s5+s3], $0x100, $0x38;
	[tilespmem:$0x280] =	vst v63  }
0x10: {  	_ = 	snop  }
0x11: {  	[tilespmem:s10], [sflag:$0x1] =	stream.linear.gather [hbm4b:s1+s3], $0x80, $0x38;
	[tilespmem:$0x280] =	vst v63  }
0x12: {  	_ =	swait.ge [sflag:s11], $0x100  }
0x13: {  	[sflag:s11] =	ssyncset.done $0x0  }
0x14: {  	[sflag:s11] =	ssyncadd.s32 $0xFFFFFF00  }
0x15: {  	_ =	swait.ge [sflag:s12], $0x80  }
0x16: {  	[sflag:s12] =	ssyncset.done $0x0  }
0x17: {  	s17 =	simm.s32 $0x20;
	[sflag:s12] =	ssyncadd.s32 $0xFFFFFF80  }
0x18: {  	v0 =	vld [tilespmem:s17+$0x10];
	_ =	sdelay $0x1  }
0x19: {  	v2 =	vld [tilespmem:s17+$0xFFFFFFE0]  }
0x1a: {  	v3 =	vld [tilespmem:s17+$0xFFFFFFF0]  }
0x1b: {  	s18 =	simm.s32 $0x60;
	v7 =	vld [tilespmem:s17+$0x0]  }
0x1c: {  	v8 =	vld [tilespmem:s18+$0x10]  }
0x1d: {  	v1 =	vld [tilespmem:s18+$0xFFFFFFF0]  }
0x1e: {  	v6 =	vld [tilespmem:s18+$0xFFFFFFE0]  }
0x1f: {  	v9 =	vld.idx.msk [tilespmem:v0+s10+$0x0], $0xffff  }
0x20: {  	v0 =	vld [tilespmem:s18+$0x0]  }
0x21: {  	v5 =	vld.idx.msk [tilespmem:v2+s10+$0x0], $0xffff  }
0x22: {  	v4 =	vld.idx.msk [tilespmem:v3+s10+$0x0], $0xffff  }
0x23: {  	v2 =	vld.idx.msk [tilespmem:v7+s10+$0x0], $0xffff  }
0x24: {  	s19 =	simm.s32 $0x40;
	s20 =	simm.s32 $0xA0;
	v3 =	vld.idx.msk [tilespmem:v8+s10+$0x0], $0xffff;
	[tilespmem:s17+$0x10] =	vst v9  }
.LBB2_2:
0x25: {  	v7 =	vld [tilespmem:s20+$0x10];
	s19 =	sadd.s32 $0x40, s19  }
0x26: {  	v8 =	vld [tilespmem:s20+$0xFFFFFFF0];
	p0 =	slt.u32 s19, $0xC0;
	[tilespmem:s17+$0xFFFFFFE0] =	vst v5  }
0x27: {  	v9 =	vld [tilespmem:s20+$0x0];
	[tilespmem:s17+$0xFFFFFFF0] =	vst v4  }
0x28: {  	v10 =	vld [tilespmem:s20+$0xFFFFFFE0];
	[tilespmem:s17+$0x0] =	vst v2;
	s17 =	smov.u32 s18;
	s18 =	smov.u32 s20  }
.Ltmp0:
0x29: {  	v5 =	vld.idx.msk [tilespmem:v6+s10+$0x0], $0xffff;
	(pc) =	sbr.rel @p0 .LBB2_2-.Ltmp0, $4  }
0x2a: {  	v4 =	vld.idx.msk [tilespmem:v1+s10+$0x0], $0xffff;
	[tilespmem:s17+$0x10] =	vst v3  }
0x2b: {  	v2 =	vld.idx.msk [tilespmem:v0+s10+$0x0], $0xffff;
	v1 =	vmov v8  }
0x2c: {  	v0 =	vmov v9  }
0x2d: {  	s20 =	sadd.s32 $0x40, s20;
	v3 =	vld.idx.msk [tilespmem:v7+s10+$0x0], $0xffff;
	v6 =	vmov v10  }
0x2e: {  	_ =	sdelay $0x3  }
0x2f: {  	v6 =	vld.idx.msk [tilespmem:v6+s10+$0x0], $0xffff  }
0x30: {  	[tilespmem:s17+$0xFFFFFFE0] =	vst v5;
	v1 =	vld.idx.msk [tilespmem:v1+s10+$0x0], $0xffff  }
0x31: {  	v0 =	vld.idx.msk [tilespmem:v0+s10+$0x0], $0xffff;
	[tilespmem:s17+$0xFFFFFFF0] =	vst v4  }
0x32: {  	[tilespmem:s17+$0x0] =	vst v2  }
0x33: {  	[tilespmem:s18+$0x10] =	vst v3  }
0x34: {  	[tilespmem:s18+$0xFFFFFFE0] =	vst v6  }
0x35: {  	[tilespmem:s18+$0xFFFFFFF0] =	vst v1  }
0x36: {  	[tilespmem:s18+$0x0] =	vst v0  }
0x37: {  	[hbm4b:s6+s3] =	stream.linear.scatter [tilespmem:s3], [sflag:$0x4], $0x100, $0x38;
	[tilespmem:$0x280] =	vst v63  }
0x38: {  	_ =	swait.ge [sflag:s13], $0x100  }
0x39: {  	s31 =	simm.s32 $0x0;
	[sflag:s13] =	ssyncset.done $0x0  }
0x3a: {  	s18 =	sand.u32 $0xC0, s31;
	[sflag:s13] =	ssyncadd.s32 $0xFFFFFF00  }
0x3b: {  	s17 =	simm.s32 $0x130;
	v0 =	vld [tilespmem:s18+$0x100]  }
0x3c: {  	v1 =	vld [tilespmem:s17+$0x0];
	_ =	sdelay $0x3  }
0x3d: {  	s21 =	simm.s32 $0x40;
	v4 =	vld [tilespmem:s17+$0xFFFFFFE0]  }
0x3e: {  	s19 =	sand.u32 $0xC0, s21;
	v2 =	vld [tilespmem:s17+$0xFFFFFFF0]  }
0x3f: {  	v7 =	vld [tilespmem:s19+$0x100]  }
0x40: {  	v3 =	vld.idx.msk [tilespmem:v0+s10+$0x0], $0xffff  }
0x41: {  	s22 =	simm.s32 $0x170;
	v1 =	vld.idx.msk [tilespmem:v1+s10+$0x0], $0xffff  }
0x42: {  	v0 =	vld [tilespmem:s22+$0x0]  }
0x43: {  	v5 =	vld [tilespmem:s22+$0xFFFFFFE0]  }
0x44: {  	v6 =	vld [tilespmem:s22+$0xFFFFFFF0]  }
0x45: {  	s20 =	simm.s32 $0x170;
	v4 =	vld.idx.msk [tilespmem:v4+s10+$0x0], $0xffff  }
.LBB2_4:
0x46: {  	s21 =	sadd.s32 $0x40, s21;
	[tilespmem:s18+$0x100] =	vst v3;
	v8 =	vld.idx.msk [tilespmem:v2+s10+$0x0], $0xffff;
	s18 =	smov.u32 s19  }
0x47: {  	s19 =	sand.u32 $0xC0, s21;
	[tilespmem:s17+$0x0] =	vst v1  }
0x48: {  	v9 =	vld [tilespmem:s19+$0x100];
	v10 =	vmov v5  }
0x49: {  	p0 =	slt.u32 s21, $0xC0;
	v3 =	vld.idx.msk [tilespmem:v7+s10+$0x0], $0xffff;
	v2 =	vmov v6  }
.Ltmp1:
0x4a: {  	s22 =	sadd.s32 $0x40, s22;
	v1 =	vld.idx.msk [tilespmem:v0+s10+$0x0], $0xffff;
	(pc) =	sbr.rel @p0 .LBB2_4-.Ltmp1, $4  }
0x4b: {  	v0 =	vld [tilespmem:s22+$0x0];
	[tilespmem:s17+$0xFFFFFFE0] =	vst v4  }
0x4c: {  	v5 =	vld [tilespmem:s22+$0xFFFFFFE0];
	[tilespmem:s17+$0xFFFFFFF0] =	vst v8;
	s17 =	smov.u32 s20;
	s20 =	smov.u32 s22  }
0x4d: {  	v6 =	vld [tilespmem:s22+$0xFFFFFFF0];
	v7 =	vmov v9  }
0x4e: {  	v4 =	vld.idx.msk [tilespmem:v10+s10+$0x0], $0xffff  }
0x4f: {  	_ =	sdelay $0x3  }
0x50: {  	v2 =	vld.idx.msk [tilespmem:v2+s10+$0x0], $0xffff  }
0x51: {  	v7 =	vld.idx.msk [tilespmem:v7+s10+$0x0], $0xffff  }
0x52: {  	[tilespmem:s18+$0x100] =	vst v3;
	v0 =	vld.idx.msk [tilespmem:v0+s10+$0x0], $0xffff  }
0x53: {  	[tilespmem:s17+$0x0] =	vst v1;
	v62 =	vld.idx.msk [tilespmem:v5+s10+$0x0], $0xffff  }
0x54: {  	v63 =	vld.idx.msk [tilespmem:v6+s10+$0x0], $0xffff;
	[tilespmem:s17+$0xFFFFFFE0] =	vst v4  }
0x55: {  	[tilespmem:s17+$0xFFFFFFF0] =	vst v2  }
0x56: {  	[tilespmem:s19+$0x100] =	vst v7  }
0x57: {  	[tilespmem:s20+$0x0] =	vst v0  }
0x58: {  	[tilespmem:s20+$0xFFFFFFE0] =	vst v62  }
0x59: {  	s16 =	sadd.s32 $0x1, s16;
	[tilespmem:s20+$0xFFFFFFF0] =	vst v63  }
0x5a: {  	[hbm4b:s7+s3] =	stream.linear.scatter [tilespmem:s9], [sflag:$0x5], $0x100, $0x38;
	[tilespmem:$0x280] =	vst v63  }
0x5b: {  	p0 =	sne.s32 s16, s8;
	_ =	swait.ge [sflag:s14], $0x100  }
.Ltmp2:
0x5c: {  	[sflag:s14] =	ssyncset.done $0x0;
	(pc) =	sbr.rel @p0 .LBB2_1-.Ltmp2, $4  }
0x5d: {  	[sflag:s14] =	ssyncadd.s32 $0xFFFFFF00  }
0x5e: {  	_ =	swait.ge [sflag:s15], $0x100  }
0x5f: {  	[sflag:s15] =	ssyncset.done $0x0  }
0x60: {  	[sflag:s15] =	ssyncadd.s32 $0xFFFFFF00  }
0x61: {  	_ =	sfence.sel $0x180000  }
0x62: {  	[bflag:$0x0] =	sbarrier.arrive $0xFFFF  }
0x63: {  	p0 =	sne.s32 s2, $0x0;
	_ =	strace $0x90000047  }
0x64: {  	s0 =	sadd.s32 @!p0 $0x100000, s0;
	[bflag:$0x2] =	sbarrier.arrive $0xFFFF  }
0x65: {  	[sflag:s0] =	ssyncadd.tile.s32 @!p0 $0x1;
	_ =	shalt  }
.Lfunc_end2:
_tile_overlayer_lowered:
.L_overlay_start_2:
0x66: {  	(tag) =	ssettag $0x2  }
0x67: {  	s0 =	rddreg [dreg:$0x0];
	s2 =	stileid.u32  }
0x68: {  	s1 =	rddreg [dreg:$0x1];
	p0 =	sne.s32 s2, $0x0  }
0x69: {  	s3 =	rddreg [dreg:$0x2];
	[bflag:$0x3] =	sbarrier.arrive $0xFFFF;
	s2 =	simm.s32 @!p0 $0x1C05  }
0x6a: {  	[timem:s3], [sflag:s2] =	dma.local @!p0 [hbm:s0], s1  }
0x6b: {  	s0 =	simm.s32 @!p0 $0x5  }
0x6c: {  	_ =	swait.ge @!p0 [sflag:s0], s1  }
0x6d: {  	s1 =	ssub.s32 @!p0 $0x0, s1;
	[sflag:s0] =	ssyncset.done @!p0 $0x0  }
0x6e: {  	[sflag:s0] =	ssyncadd.s32 @!p0 s1  }
0x6f: {  	[bflag:$0x3] =	sbarrier.arrive $0xFFFF  }
0x70: {  	_ =	shalt  }

</sc_bundles>
